<compile_context>
chip_gen: v7x
topology: tpu7x:2x2x1
jax: 0.10.2.dev20260603
libtpu: 0.0.44.dev20260713+nightly
codegen_flags: <defaults>
</compile_context>

<pallas_src>
import functools

import jax
import jax.numpy as jnp
from jax import lax
from jax.experimental import pallas as pl
from jax.experimental.pallas import tpu as pltpu
from jax.experimental.pallas import tpu_sc as plsc

_BATCH = 16384
_FEATURES = 640
_NNZ = 655360

_NC = 2
_NS = 16
_LANES = 16
_NW = _NC * _NS

_MINOR = 128
_ROWS_TOTAL = _NNZ // _MINOR
_CHUNK_R = _ROWS_TOTAL // _NW
_ACC_SLICE = _BATCH // _NS
_FIRE_R = 8


def _sc_partial_kernel(row_h, col_h, val_h, w_h, out_h,
                       w_v, col_v, val_v, row_v, contrib, zero_v,
                       acc_sh, sem_in, sem_sc):
  cid = lax.axis_index("c")
  sid = lax.axis_index("s")
  base = (cid * _NS + sid) * _CHUNK_R

  cw = pltpu.async_copy(w_h.at[0], w_v, sem_in)
  cc = pltpu.async_copy(col_h.at[pl.ds(base, _CHUNK_R)], col_v, sem_in)
  cv = pltpu.async_copy(val_h.at[pl.ds(base, _CHUNK_R)], val_v, sem_in)
  cr = pltpu.async_copy(row_h.at[pl.ds(base, _CHUNK_R)], row_v, sem_in)

  @pl.loop(0, _ACC_SLICE // _LANES)
  def _zero(i):
    zero_v[pl.ds(i * _LANES, _LANES)] = jnp.zeros((_LANES,), jnp.float32)

  pltpu.sync_copy(zero_v, acc_sh.at[pl.ds(sid * _ACC_SLICE, _ACC_SLICE)])
  cw.wait()
  cc.wait()
  cv.wait()
  cr.wait()

  plsc.subcore_barrier()

  @pl.loop(0, _CHUNK_R // _FIRE_R)
  def _burst(b):
    r0 = b * _FIRE_R

    @plsc.parallel_loop(0, _FIRE_R * (_MINOR // _LANES))
    def _compute(g):
      r = r0 + g // (_MINOR // _LANES)
      sl = pl.ds((g % (_MINOR // _LANES)) * _LANES, _LANES)
      cols = col_v[r, sl]
      wv = plsc.load_gather(w_v, [cols])
      contrib[r, sl] = wv * val_v[r, sl]

    @pl.loop(r0, r0 + _FIRE_R)
    def _fire(r):
      pltpu.async_copy(contrib.at[r], acc_sh.at[row_v.at[r]], sem_sc,
                       add=True)

  @pl.loop(0, _CHUNK_R)
  def _drain(r):
    pltpu.make_async_copy(contrib.at[0], acc_sh.at[row_v.at[0]],
                          sem_sc).wait()

  plsc.subcore_barrier()

  pltpu.sync_copy(acc_sh.at[pl.ds(sid * _ACC_SLICE, _ACC_SLICE)],
                  out_h.at[cid, pl.ds(sid * _ACC_SLICE, _ACC_SLICE)])


@functools.partial(
    pl.kernel,
    out_type=jax.ShapeDtypeStruct((_NC, _BATCH), jnp.float32),
    mesh=plsc.VectorSubcoreMesh(core_axis_name="c", subcore_axis_name="s",
                                num_cores=_NC, num_subcores=_NS),
    scratch_types=[
        pltpu.VMEM((_FEATURES,), jnp.float32),
        pltpu.VMEM((_CHUNK_R, _MINOR), jnp.int32),
        pltpu.VMEM((_CHUNK_R, _MINOR), jnp.float32),
        pltpu.VMEM((_CHUNK_R, _MINOR), jnp.int32),
        pltpu.VMEM((_CHUNK_R, _MINOR), jnp.float32),
        pltpu.VMEM((_ACC_SLICE,), jnp.float32),
        pltpu.VMEM_SHARED((_BATCH,), jnp.float32),
        pltpu.SemaphoreType.DMA,
        pltpu.SemaphoreType.DMA,
    ],
    compiler_params=pltpu.CompilerParams(needs_layout_passes=False),
)
def _sc_partials(row_h, col_h, val_h, w_h, out_h, *scratch):
  _sc_partial_kernel(row_h, col_h, val_h, w_h, out_h, *scratch)


def _combine_kernel(p_ref, o_ref):
  s = p_ref[0:1, :] + p_ref[1:2, :]
  o_ref[...] = jax.nn.sigmoid(s)


def kernel(row_idx, col_idx, values, W):
  row2d = row_idx.astype(jnp.int32).reshape(_ROWS_TOTAL, _MINOR)
  col2d = col_idx.astype(jnp.int32).reshape(_ROWS_TOTAL, _MINOR)
  val2d = values.reshape(_ROWS_TOTAL, _MINOR)

  partials = _sc_partials(row2d, col2d, val2d, W)

  logits = pl.pallas_call(
      _combine_kernel,
      out_shape=jax.ShapeDtypeStruct((1, _BATCH), jnp.float32),
  )(partials)
  return logits.reshape(_BATCH, 1)

# --- scband reference (transcript-rebuilt; emitter-appended) ---
"""Pipeline reference for scband-ice4-model-29566554865843 (READ-ONLY COPY).

The authoritative reference and input builder live on the scoring server;
editing this copy changes nothing except your own understanding.
"""

import jax, jax.numpy as jnp
import numpy as np

BATCH = 16384
FEATURES = 640
NNZ = 655360


def setup_inputs(seed: int = 0) -> dict:
    key = jax.random.key(seed)
    k1, k2, k3, k4 = jax.random.split(key, 4)
    row_idx = jax.random.randint(k1, (NNZ,), 0, BATCH, dtype=jnp.int64) if jax.config.jax_enable_x64 else jax.random.randint(k1, (NNZ,), 0, BATCH).astype(jnp.int32)
    col_idx = jax.random.randint(k2, (NNZ,), 0, FEATURES).astype(row_idx.dtype)
    values = jax.random.normal(k3, (NNZ,), dtype=jnp.float32)
    # Learned parameter: torch.nn.Linear(FEATURES, 1, bias=False) -> weight [1, FEATURES]
    W = jax.random.normal(k4, (1, FEATURES), dtype=jnp.float32) * (1.0 / np.sqrt(FEATURES))
    return {"row_idx": row_idx, "col_idx": col_idx, "values": values, "W": W}


def reference(row_idx, col_idx, values, W):
    # torch.sparse_coo_tensor(...).to_dense(): duplicate coordinates are summed -> scatter-add
    dense = jnp.zeros((BATCH, FEATURES), dtype=jnp.float32).at[row_idx, col_idx].add(values)
    # Linear(FEATURES, 1, bias=False)
    logits = dense @ W.T
    return jax.nn.sigmoid(logits)

if __name__ == "__main__":
    import jax
    _d = setup_inputs()
    print(jax.jit(kernel)(*tuple(_d.values())))

</pallas_src>

<mosaic_0001>
#map = affine_map<(d0, d1) -> (0, 0)>
module attributes {stable_mosaic.version = 14 : i64} {
  func.func @_sc_partials(%arg0: i32, %arg1: i32, %arg2: memref<5120x128xi32, #tpu.memory_space<hbm>>, %arg3: memref<5120x128xi32, #tpu.memory_space<hbm>>, %arg4: memref<5120x128xf32, #tpu.memory_space<hbm>>, %arg5: memref<1x640xf32, #tpu.memory_space<hbm>>, %arg6: memref<2x16384xf32, #tpu.memory_space<hbm>>, %arg7: memref<640xf32, #tpu.memory_space<vmem>>, %arg8: memref<160x128xi32, #tpu.memory_space<vmem>>, %arg9: memref<160x128xf32, #tpu.memory_space<vmem>>, %arg10: memref<160x128xi32, #tpu.memory_space<vmem>>, %arg11: memref<160x128xf32, #tpu.memory_space<vmem>>, %arg12: memref<1024xf32, #tpu.memory_space<vmem>>, %arg13: memref<16384xf32, #tpu.memory_space<vmem_shared>>, %arg14: memref<!tpu.dma_semaphore, #tpu.memory_space<semaphore_mem>>, %arg15: memref<!tpu.dma_semaphore, #tpu.memory_space<semaphore_mem>>) attributes {dimension_semantics = [#tpu.dimension_semantics<core_parallel>, #tpu.dimension_semantics<subcore_parallel>], iteration_bounds = array<i64: 2, 16>, scalar_prefetch = 0 : i64, scratch_operands = 9 : i64, tpu.core_type = #tpu.core_type<sc_vector_subcore>, window_params = [{transform_indices = #map}, {transform_indices = #map}, {transform_indices = #map}, {transform_indices = #map}, {transform_indices = #map}]} {
    %mul3A = arith.constant 16 : i32
    %mul3A_0 = arith.muli %arg0, %mul3A : i32
    %add3A = arith.addi %mul3A_0, %arg1 : i32
    %mul3A_1 = arith.constant 160 : i32
    %mul3A_2 = arith.muli %add3A, %mul3A_1 : i32
    %dma_start3A = arith.constant 0 : i32
    %dma_start3A_3 = arith.constant 0 : i32
    %dma_start3A_4 = tpu.memref_slice %arg5[%dma_start3A, %dma_start3A_3] : memref<1x640xf32, #tpu.memory_space<hbm>> -> memref<1x640xf32, #tpu.memory_space<hbm>>
    %dma_start3A_5 = tpu.memref_squeeze %dma_start3A_4 : memref<1x640xf32, #tpu.memory_space<hbm>> -> memref<640xf32, #tpu.memory_space<hbm>>
    %dma_start3A_6 = arith.constant 0 : i32
    %dma_start3A_7 = tpu.memref_slice %arg5[%dma_start3A, %dma_start3A_6] : memref<1x640xf32, #tpu.memory_space<hbm>> -> memref<1x640xf32, #tpu.memory_space<hbm>>
    %dma_start3A_8 = tpu.memref_squeeze %dma_start3A_7 : memref<1x640xf32, #tpu.memory_space<hbm>> -> memref<640xf32, #tpu.memory_space<hbm>>
    tpu.enqueue_dma source(%dma_start3A_8 : memref<640xf32, #tpu.memory_space<hbm>>) target(%arg7 : memref<640xf32, #tpu.memory_space<vmem>>) target_semaphore(%arg14 : memref<!tpu.dma_semaphore, #tpu.memory_space<semaphore_mem>>)
    %dma_start3A_9 = arith.constant 0 : i32
    %dma_start3A_10 = tpu.memref_slice %arg3[%mul3A_2, %dma_start3A_9] : memref<5120x128xi32, #tpu.memory_space<hbm>> -> memref<160x128xi32, #tpu.memory_space<hbm>>
    %dma_start3A_11 = arith.constant 0 : i32
    %dma_start3A_12 = tpu.memref_slice %arg3[%mul3A_2, %dma_start3A_11] : memref<5120x128xi32, #tpu.memory_space<hbm>> -> memref<160x128xi32, #tpu.memory_space<hbm>>
    tpu.enqueue_dma source(%dma_start3A_12 : memref<160x128xi32, #tpu.memory_space<hbm>>) target(%arg8 : memref<160x128xi32, #tpu.memory_space<vmem>>) target_semaphore(%arg14 : memref<!tpu.dma_semaphore, #tpu.memory_space<semaphore_mem>>)
    %dma_start3A_13 = arith.constant 0 : i32
    %dma_start3A_14 = tpu.memref_slice %arg4[%mul3A_2, %dma_start3A_13] : memref<5120x128xf32, #tpu.memory_space<hbm>> -> memref<160x128xf32, #tpu.memory_space<hbm>>
    %dma_start3A_15 = arith.constant 0 : i32
    %dma_start3A_16 = tpu.memref_slice %arg4[%mul3A_2, %dma_start3A_15] : memref<5120x128xf32, #tpu.memory_space<hbm>> -> memref<160x128xf32, #tpu.memory_space<hbm>>
    tpu.enqueue_dma source(%dma_start3A_16 : memref<160x128xf32, #tpu.memory_space<hbm>>) target(%arg9 : memref<160x128xf32, #tpu.memory_space<vmem>>) target_semaphore(%arg14 : memref<!tpu.dma_semaphore, #tpu.memory_space<semaphore_mem>>)
    %dma_start3A_17 = arith.constant 0 : i32
    %dma_start3A_18 = tpu.memref_slice %arg2[%mul3A_2, %dma_start3A_17] : memref<5120x128xi32, #tpu.memory_space<hbm>> -> memref<160x128xi32, #tpu.memory_space<hbm>>
    %dma_start3A_19 = arith.constant 0 : i32
    %dma_start3A_20 = tpu.memref_slice %arg2[%mul3A_2, %dma_start3A_19] : memref<5120x128xi32, #tpu.memory_space<hbm>> -> memref<160x128xi32, #tpu.memory_space<hbm>>
    tpu.enqueue_dma source(%dma_start3A_20 : memref<160x128xi32, #tpu.memory_space<hbm>>) target(%arg10 : memref<160x128xi32, #tpu.memory_space<vmem>>) target_semaphore(%arg14 : memref<!tpu.dma_semaphore, #tpu.memory_space<semaphore_mem>>)
    %scan3A = arith.constant 0 : i32
    %scan3A_21 = arith.constant 64 : i32
    %scan3A_22 = arith.addi %scan3A, %scan3A_21 : i32
    %scan3A_23 = arith.constant 1 : i32
    scf.for %scan3A_60 = %scan3A to %scan3A_22 step %scan3A_23  : i32 {
      %mul3A_61 = arith.constant 1 : i32
      %mul3A_62 = arith.muli %scan3A_60, %mul3A_61 : i32
      %add3A_63 = arith.constant 0 : i32
      %add3A_64 = arith.addi %add3A_63, %mul3A_62 : i32
      %broadcast_in_dim3A = arith.constant 0.000000e+00 : f32
      %broadcast_in_dim3A_65 = vector.broadcast %broadcast_in_dim3A : f32 to vector<16xf32>
      %mul3A_66 = arith.constant 16 : i32
      %mul3A_67 = arith.muli %add3A_64, %mul3A_66 : i32
      %swap3A = arith.index_cast %mul3A_67 : i32 to index
      %swap3A_68 = tpu.vector_load %arg12[%swap3A] {strides = array<i32>} : memref<1024xf32, #tpu.memory_space<vmem>>, vector<16xf32>,
      tpu.vector_store %arg12[%swap3A], %broadcast_in_dim3A_65 {strides = array<i32>} : memref<1024xf32, #tpu.memory_space<vmem>>, vector<16xf32>,
    }
    %scan3A_24 = arith.constant 64 : i32
    %mul3A_25 = arith.constant 1024 : i32
    %mul3A_26 = arith.muli %arg1, %mul3A_25 : i32
    "tpu.region"() ({
      %run_scoped3A = tpu.sem_alloc : memref<!tpu.dma_semaphore, #tpu.memory_space<semaphore_mem>>
      %dma_start3A_60 = tpu.memref_slice %arg13[%mul3A_26] : memref<16384xf32, #tpu.memory_space<vmem_shared>> -> memref<1024xf32, #tpu.memory_space<vmem_shared>>
      %dma_start3A_61 = tpu.memref_slice %arg13[%mul3A_26] : memref<16384xf32, #tpu.memory_space<vmem_shared>> -> memref<1024xf32, #tpu.memory_space<vmem_shared>>
      tpu.enqueue_dma source(%arg12 : memref<1024xf32, #tpu.memory_space<vmem>>) target(%dma_start3A_61 : memref<1024xf32, #tpu.memory_space<vmem_shared>>) target_semaphore(%run_scoped3A : memref<!tpu.dma_semaphore, #tpu.memory_space<semaphore_mem>>)
      %dma_wait3A_62 = tpu.memref_slice %arg13[%mul3A_26] : memref<16384xf32, #tpu.memory_space<vmem_shared>> -> memref<1024xf32, #tpu.memory_space<vmem_shared>>
      %dma_wait3A_63 = tpu.memref_slice %arg13[%mul3A_26] : memref<16384xf32, #tpu.memory_space<vmem_shared>> -> memref<1024xf32, #tpu.memory_space<vmem_shared>>
      tpu.wait_dma2 semaphore(%run_scoped3A : memref<!tpu.dma_semaphore, #tpu.memory_space<semaphore_mem>>) src(%arg12 : memref<1024xf32, #tpu.memory_space<vmem>>) dst(%dma_wait3A_63 : memref<1024xf32, #tpu.memory_space<vmem_shared>>)
      tpu.yield
    }) : () -> ()
    %dma_wait3A = arith.constant 0 : i32
    %dma_wait3A_27 = arith.constant 0 : i32
    %dma_wait3A_28 = tpu.memref_slice %arg5[%dma_wait3A, %dma_wait3A_27] : memref<1x640xf32, #tpu.memory_space<hbm>> -> memref<1x640xf32, #tpu.memory_space<hbm>>
    %dma_wait3A_29 = tpu.memref_squeeze %dma_wait3A_28 : memref<1x640xf32, #tpu.memory_space<hbm>> -> memref<640xf32, #tpu.memory_space<hbm>>
    %dma_wait3A_30 = arith.constant 0 : i32
    %dma_wait3A_31 = tpu.memref_slice %arg5[%dma_wait3A, %dma_wait3A_30] : memref<1x640xf32, #tpu.memory_space<hbm>> -> memref<1x640xf32, #tpu.memory_space<hbm>>
    %dma_wait3A_32 = tpu.memref_squeeze %dma_wait3A_31 : memref<1x640xf32, #tpu.memory_space<hbm>> -> memref<640xf32, #tpu.memory_space<hbm>>
    tpu.wait_dma2 semaphore(%arg14 : memref<!tpu.dma_semaphore, #tpu.memory_space<semaphore_mem>>) src(%dma_wait3A_32 : memref<640xf32, #tpu.memory_space<hbm>>) dst(%arg7 : memref<640xf32, #tpu.memory_space<vmem>>)
    %dma_wait3A_33 = arith.constant 0 : i32
    %dma_wait3A_34 = tpu.memref_slice %arg3[%mul3A_2, %dma_wait3A_33] : memref<5120x128xi32, #tpu.memory_space<hbm>> -> memref<160x128xi32, #tpu.memory_space<hbm>>
    %dma_wait3A_35 = arith.constant 0 : i32
    %dma_wait3A_36 = tpu.memref_slice %arg3[%mul3A_2, %dma_wait3A_35] : memref<5120x128xi32, #tpu.memory_space<hbm>> -> memref<160x128xi32, #tpu.memory_space<hbm>>
    tpu.wait_dma2 semaphore(%arg14 : memref<!tpu.dma_semaphore, #tpu.memory_space<semaphore_mem>>) src(%dma_wait3A_36 : memref<160x128xi32, #tpu.memory_space<hbm>>) dst(%arg8 : memref<160x128xi32, #tpu.memory_space<vmem>>)
    %dma_wait3A_37 = arith.constant 0 : i32
    %dma_wait3A_38 = tpu.memref_slice %arg4[%mul3A_2, %dma_wait3A_37] : memref<5120x128xf32, #tpu.memory_space<hbm>> -> memref<160x128xf32, #tpu.memory_space<hbm>>
    %dma_wait3A_39 = arith.constant 0 : i32
    %dma_wait3A_40 = tpu.memref_slice %arg4[%mul3A_2, %dma_wait3A_39] : memref<5120x128xf32, #tpu.memory_space<hbm>> -> memref<160x128xf32, #tpu.memory_space<hbm>>
    tpu.wait_dma2 semaphore(%arg14 : memref<!tpu.dma_semaphore, #tpu.memory_space<semaphore_mem>>) src(%dma_wait3A_40 : memref<160x128xf32, #tpu.memory_space<hbm>>) dst(%arg9 : memref<160x128xf32, #tpu.memory_space<vmem>>)
    %dma_wait3A_41 = arith.constant 0 : i32
    %dma_wait3A_42 = tpu.memref_slice %arg2[%mul3A_2, %dma_wait3A_41] : memref<5120x128xi32, #tpu.memory_space<hbm>> -> memref<160x128xi32, #tpu.memory_space<hbm>>
    %dma_wait3A_43 = arith.constant 0 : i32
    %dma_wait3A_44 = tpu.memref_slice %arg2[%mul3A_2, %dma_wait3A_43] : memref<5120x128xi32, #tpu.memory_space<hbm>> -> memref<160x128xi32, #tpu.memory_space<hbm>>
    tpu.wait_dma2 semaphore(%arg14 : memref<!tpu.dma_semaphore, #tpu.memory_space<semaphore_mem>>) src(%dma_wait3A_44 : memref<160x128xi32, #tpu.memory_space<hbm>>) dst(%arg10 : memref<160x128xi32, #tpu.memory_space<vmem>>)
    %barrier3A = arith.constant 0 : index
    tpu.barrier barrier_id(%barrier3A)
    %scan3A_45 = arith.constant 0 : i32
    %scan3A_46 = arith.constant 20 : i32
    %scan3A_47 = arith.addi %scan3A_45, %scan3A_46 : i32
    %scan3A_48 = arith.constant 1 : i32
    scf.for %scan3A_60 = %scan3A_45 to %scan3A_47 step %scan3A_48  : i32 {
      %mul3A_61 = arith.constant 1 : i32
      %mul3A_62 = arith.muli %scan3A_60, %mul3A_61 : i32
      %add3A_63 = arith.constant 0 : i32
      %add3A_64 = arith.addi %add3A_63, %mul3A_62 : i32
      %mul3A_65 = arith.constant 8 : i32
      %mul3A_66 = arith.muli %add3A_64, %mul3A_65 : i32
      %parallel_loop3A = arith.constant 0 : i32
      %parallel_loop3A_67 = arith.constant 64 : i32
      %parallel_loop3A_68 = arith.constant 1 : i32
      scf.for %parallel_loop3A_85 = %parallel_loop3A to %parallel_loop3A_67 step %parallel_loop3A_68  : i32 {
        %parallel_loop3A_86 = arith.constant 8 : i32
        %parallel_loop3A_87 = arith.divsi %parallel_loop3A_85, %parallel_loop3A_86 : i32
        %parallel_loop3A_88 = arith.constant 0 : i32
        %parallel_loop3A_89 = arith.cmpi sgt, %parallel_loop3A_85, %parallel_loop3A_88 : i32
        %parallel_loop3A_90 = arith.extui %parallel_loop3A_89 : i1 to i32
        %parallel_loop3A_91 = arith.constant 0 : i32
        %parallel_loop3A_92 = arith.cmpi slt, %parallel_loop3A_85, %parallel_loop3A_91 : i32
        %parallel_loop3A_93 = arith.extui %parallel_loop3A_92 : i1 to i32
        %parallel_loop3A_94 = arith.subi %parallel_loop3A_90, %parallel_loop3A_93 : i32
        %parallel_loop3A_95 = arith.constant 0 : i32
        %parallel_loop3A_96 = arith.cmpi sgt, %parallel_loop3A_86, %parallel_loop3A_95 : i32
        %parallel_loop3A_97 = arith.extui %parallel_loop3A_96 : i1 to i32
        %parallel_loop3A_98 = arith.constant 0 : i32
        %parallel_loop3A_99 = arith.cmpi slt, %parallel_loop3A_86, %parallel_loop3A_98 : i32
        %parallel_loop3A_100 = arith.extui %parallel_loop3A_99 : i1 to i32
        %parallel_loop3A_101 = arith.subi %parallel_loop3A_97, %parallel_loop3A_100 : i32
        %parallel_loop3A_102 = arith.cmpi ne, %parallel_loop3A_94, %parallel_loop3A_101 : i32
        %parallel_loop3A_103 = arith.remsi %parallel_loop3A_85, %parallel_loop3A_86 : i32
        %parallel_loop3A_104 = arith.constant 0 : i32
        %parallel_loop3A_105 = arith.cmpi ne, %parallel_loop3A_103, %parallel_loop3A_104 : i32
        %parallel_loop3A_106 = arith.andi %parallel_loop3A_102, %parallel_loop3A_105 : i1
        %parallel_loop3A_107 = arith.constant 1 : i32
        %parallel_loop3A_108 = arith.subi %parallel_loop3A_87, %parallel_loop3A_107 : i32
        %parallel_loop3A_109 = arith.select %parallel_loop3A_106, %parallel_loop3A_108, %parallel_loop3A_87 : i32
        %parallel_loop3A_110 = arith.addi %mul3A_66, %parallel_loop3A_109 : i32
        %parallel_loop3A_111 = arith.constant 8 : i32
        %parallel_loop3A_112 = arith.constant 0 : i32
        %parallel_loop3A_113 = arith.cmpi eq, %parallel_loop3A_111, %parallel_loop3A_112 : i32
        %parallel_loop3A_114 = arith.constant 1 : i32
        %parallel_loop3A_115 = arith.select %parallel_loop3A_113, %parallel_loop3A_114, %parallel_loop3A_111 : i32
        %parallel_loop3A_116 = arith.remsi %parallel_loop3A_85, %parallel_loop3A_115 : i32
        %parallel_loop3A_117 = arith.constant 0 : i32
        %parallel_loop3A_118 = arith.cmpi ne, %parallel_loop3A_116, %parallel_loop3A_117 : i32
        %parallel_loop3A_119 = arith.constant 0 : i32
        %parallel_loop3A_120 = arith.cmpi slt, %parallel_loop3A_116, %parallel_loop3A_119 : i32
        %parallel_loop3A_121 = arith.constant 0 : i32
        %parallel_loop3A_122 = arith.cmpi slt, %parallel_loop3A_115, %parallel_loop3A_121 : i32
        %parallel_loop3A_123 = arith.xori %parallel_loop3A_120, %parallel_loop3A_122 : i1
        %parallel_loop3A_124 = arith.andi %parallel_loop3A_123, %parallel_loop3A_118 : i1
        %parallel_loop3A_125 = arith.addi %parallel_loop3A_116, %parallel_loop3A_115 : i32
        %parallel_loop3A_126 = arith.select %parallel_loop3A_124, %parallel_loop3A_125, %parallel_loop3A_116 : i32
        %parallel_loop3A_127 = arith.constant 16 : i32
        %parallel_loop3A_128 = arith.muli %parallel_loop3A_126, %parallel_loop3A_127 : i32
        %parallel_loop3A_129 = arith.index_cast %parallel_loop3A_110 : i32 to index
        %parallel_loop3A_130 = arith.index_cast %parallel_loop3A_128 : i32 to index
        %parallel_loop3A_131 = tpu.vector_load %arg8[%parallel_loop3A_129, %parallel_loop3A_130] {strides = array<i32>} : memref<160x128xi32, #tpu.memory_space<vmem>>, vector<16xi32>,
        %parallel_loop3A_132 = tpu.vector_load_idx %arg7[%parallel_loop3A_131] : memref<640xf32, #tpu.memory_space<vmem>>[vector<16xi32>], vector<16xf32>,
        %parallel_loop3A_133 = arith.index_cast %parallel_loop3A_110 : i32 to index
        %parallel_loop3A_134 = arith.index_cast %parallel_loop3A_128 : i32 to index
        %parallel_loop3A_135 = tpu.vector_load %arg9[%parallel_loop3A_133, %parallel_loop3A_134] {strides = array<i32>} : memref<160x128xf32, #tpu.memory_space<vmem>>, vector<16xf32>,
        %parallel_loop3A_136 = arith.mulf %parallel_loop3A_132, %parallel_loop3A_135 : vector<16xf32>
        %parallel_loop3A_137 = arith.index_cast %parallel_loop3A_110 : i32 to index
        %parallel_loop3A_138 = arith.index_cast %parallel_loop3A_128 : i32 to index
        %parallel_loop3A_139 = tpu.vector_load %arg11[%parallel_loop3A_137, %parallel_loop3A_138] {strides = array<i32>} : memref<160x128xf32, #tpu.memory_space<vmem>>, vector<16xf32>,
        tpu.vector_store %arg11[%parallel_loop3A_137, %parallel_loop3A_138], %parallel_loop3A_136 {strides = array<i32>} : memref<160x128xf32, #tpu.memory_space<vmem>>, vector<16xf32>,
      } {sc.loop_unroll_factor = 1 : i64, sc.parallel_access}
      %add3A_69 = arith.constant 8 : i32
      %add3A_70 = arith.addi %mul3A_66, %add3A_69 : i32
      %sub3A = arith.subi %add3A_70, %mul3A_66 : i32
      %sub3A_71 = arith.constant 1 : i32
      %sub3A_72 = arith.constant 1 : i32
      %sub3A_73 = arith.subi %sub3A_71, %sub3A_72 : i32
      %add3A_74 = arith.addi %sub3A, %sub3A_73 : i32
      %div3A = arith.constant 1 : i32
      %div3A_75 = arith.divsi %add3A_74, %div3A : i32
      %while3A = arith.constant 1 : i32
      %while3A_76 = arith.constant 0 : i32
      %while3A_77 = arith.subi %div3A_75, %while3A_76 : i32
      %while3A_78 = arith.addi %while3A_76, %while3A_77 : i32
      %while3A_79 = arith.constant 1 : i32
      %while3A_80 = arith.divsi %while3A_77, %while3A_79 : i32
      %while3A_81 = arith.muli %while3A_80, %while3A_79 : i32
      %while3A_82 = arith.addi %while3A_76, %while3A_81 : i32
      %while3A_83 = arith.constant 1 : i32
      scf.for %while3A_85 = %while3A_76 to %while3A_82 step %while3A_83  : i32 {
        %mul3A_86 = arith.muli %while3A_85, %while3A : i32
        %add3A_87 = arith.addi %mul3A_66, %mul3A_86 : i32
        %dma_start3A_88 = arith.constant 0 : i32
        %dma_start3A_89 = tpu.memref_slice %arg11[%add3A_87, %dma_start3A_88] : memref<160x128xf32, #tpu.memory_space<vmem>> -> memref<1x128xf32, #tpu.memory_space<vmem>>
        %dma_start3A_90 = tpu.memref_squeeze %dma_start3A_89 : memref<1x128xf32, #tpu.memory_space<vmem>> -> memref<128xf32, #tpu.memory_space<vmem>>
        %dma_start3A_91 = arith.constant 0 : i32
        %dma_start3A_92 = tpu.memref_slice %arg10[%add3A_87, %dma_start3A_91] : memref<160x128xi32, #tpu.memory_space<vmem>> -> memref<1x128xi32, #tpu.memory_space<vmem>>
        %dma_start3A_93 = tpu.memref_squeeze %dma_start3A_92 : memref<1x128xi32, #tpu.memory_space<vmem>> -> memref<128xi32, #tpu.memory_space<vmem>>
        %dma_start3A_94 = arith.constant 0 : i32
        %dma_start3A_95 = tpu.memref_slice %arg13[%dma_start3A_94] : memref<16384xf32, #tpu.memory_space<vmem_shared>> -> memref<16384xf32, #tpu.memory_space<vmem_shared>>
        tpu.enqueue_indirect_dma source(%dma_start3A_90 : memref<128xf32, #tpu.memory_space<vmem>>) target(%dma_start3A_95 : memref<16384xf32, #tpu.memory_space<vmem_shared>>) offsets(%dma_start3A_93 : memref<128xi32, #tpu.memory_space<vmem>>) semaphore(%arg15 : memref<!tpu.dma_semaphore, #tpu.memory_space<semaphore_mem>>) {add = true}
      }
      %while3A_84 = arith.constant 1 : i32
      scf.for %while3A_85 = %while3A_82 to %while3A_78 step %while3A_84  : i32 {
        %mul3A_86 = arith.muli %while3A_85, %while3A : i32
        %add3A_87 = arith.addi %mul3A_66, %mul3A_86 : i32
        %dma_start3A_88 = arith.constant 0 : i32
        %dma_start3A_89 = tpu.memref_slice %arg11[%add3A_87, %dma_start3A_88] : memref<160x128xf32, #tpu.memory_space<vmem>> -> memref<1x128xf32, #tpu.memory_space<vmem>>
        %dma_start3A_90 = tpu.memref_squeeze %dma_start3A_89 : memref<1x128xf32, #tpu.memory_space<vmem>> -> memref<128xf32, #tpu.memory_space<vmem>>
        %dma_start3A_91 = arith.constant 0 : i32
        %dma_start3A_92 = tpu.memref_slice %arg10[%add3A_87, %dma_start3A_91] : memref<160x128xi32, #tpu.memory_space<vmem>> -> memref<1x128xi32, #tpu.memory_space<vmem>>
        %dma_start3A_93 = tpu.memref_squeeze %dma_start3A_92 : memref<1x128xi32, #tpu.memory_space<vmem>> -> memref<128xi32, #tpu.memory_space<vmem>>
        %dma_start3A_94 = arith.constant 0 : i32
        %dma_start3A_95 = tpu.memref_slice %arg13[%dma_start3A_94] : memref<16384xf32, #tpu.memory_space<vmem_shared>> -> memref<16384xf32, #tpu.memory_space<vmem_shared>>
        tpu.enqueue_indirect_dma source(%dma_start3A_90 : memref<128xf32, #tpu.memory_space<vmem>>) target(%dma_start3A_95 : memref<16384xf32, #tpu.memory_space<vmem_shared>>) offsets(%dma_start3A_93 : memref<128xi32, #tpu.memory_space<vmem>>) semaphore(%arg15 : memref<!tpu.dma_semaphore, #tpu.memory_space<semaphore_mem>>) {add = true}
      }
    }
    %scan3A_49 = arith.constant 20 : i32
    %scan3A_50 = arith.constant 0 : i32
    %scan3A_51 = arith.constant 160 : i32
    %scan3A_52 = arith.addi %scan3A_50, %scan3A_51 : i32
    %scan3A_53 = arith.constant 1 : i32
    scf.for %scan3A_60 = %scan3A_50 to %scan3A_52 step %scan3A_53  : i32 {
      %mul3A_61 = arith.constant 1 : i32
      %mul3A_62 = arith.muli %scan3A_60, %mul3A_61 : i32
      %add3A_63 = arith.constant 0 : i32
      %add3A_64 = arith.addi %add3A_63, %mul3A_62 : i32
      %dma_wait3A_65 = arith.constant 0 : i32
      %dma_wait3A_66 = arith.constant 0 : i32
      %dma_wait3A_67 = arith.constant 0 : i32
      %dma_wait3A_68 = tpu.memref_slice %arg11[%dma_wait3A_65, %dma_wait3A_67] : memref<160x128xf32, #tpu.memory_space<vmem>> -> memref<1x128xf32, #tpu.memory_space<vmem>>
      %dma_wait3A_69 = tpu.memref_squeeze %dma_wait3A_68 : memref<1x128xf32, #tpu.memory_space<vmem>> -> memref<128xf32, #tpu.memory_space<vmem>>
      %dma_wait3A_70 = arith.constant 0 : i32
      %dma_wait3A_71 = tpu.memref_slice %arg10[%dma_wait3A_66, %dma_wait3A_70] : memref<160x128xi32, #tpu.memory_space<vmem>> -> memref<1x128xi32, #tpu.memory_space<vmem>>
      %dma_wait3A_72 = tpu.memref_squeeze %dma_wait3A_71 : memref<1x128xi32, #tpu.memory_space<vmem>> -> memref<128xi32, #tpu.memory_space<vmem>>
      %dma_wait3A_73 = arith.constant 0 : i32
      %dma_wait3A_74 = tpu.memref_slice %arg13[%dma_wait3A_73] : memref<16384xf32, #tpu.memory_space<vmem_shared>> -> memref<16384xf32, #tpu.memory_space<vmem_shared>>
      tpu.wait_indirect_dma semaphore(%arg15 : memref<!tpu.dma_semaphore, #tpu.memory_space<semaphore_mem>>) src(%dma_wait3A_69 : memref<128xf32, #tpu.memory_space<vmem>>) dst(%dma_wait3A_74 : memref<16384xf32, #tpu.memory_space<vmem_shared>>)
    }
    %scan3A_54 = arith.constant 160 : i32
    %barrier3A_55 = arith.constant 0 : index
    tpu.barrier barrier_id(%barrier3A_55)
    %mul3A_56 = arith.constant 1024 : i32
    %mul3A_57 = arith.muli %arg1, %mul3A_56 : i32
    %mul3A_58 = arith.constant 1024 : i32
    %mul3A_59 = arith.muli %arg1, %mul3A_58 : i32
    "tpu.region"() ({
      %run_scoped3A = tpu.sem_alloc : memref<!tpu.dma_semaphore, #tpu.memory_space<semaphore_mem>>
      %dma_start3A_60 = tpu.memref_slice %arg6[%arg0, %mul3A_59] : memref<2x16384xf32, #tpu.memory_space<hbm>> -> memref<1x1024xf32, #tpu.memory_space<hbm>>
      %dma_start3A_61 = tpu.memref_squeeze %dma_start3A_60 : memref<1x1024xf32, #tpu.memory_space<hbm>> -> memref<1024xf32, #tpu.memory_space<hbm>>
      %dma_start3A_62 = tpu.memref_slice %arg13[%mul3A_57] : memref<16384xf32, #tpu.memory_space<vmem_shared>> -> memref<1024xf32, #tpu.memory_space<vmem_shared>>
      tpu.enqueue_dma source(%dma_start3A_62 : memref<1024xf32, #tpu.memory_space<vmem_shared>>) target(%dma_start3A_61 : memref<1024xf32, #tpu.memory_space<hbm>>) target_semaphore(%run_scoped3A : memref<!tpu.dma_semaphore, #tpu.memory_space<semaphore_mem>>)
      %dma_wait3A_63 = tpu.memref_slice %arg6[%arg0, %mul3A_59] : memref<2x16384xf32, #tpu.memory_space<hbm>> -> memref<1x1024xf32, #tpu.memory_space<hbm>>
      %dma_wait3A_64 = tpu.memref_squeeze %dma_wait3A_63 : memref<1x1024xf32, #tpu.memory_space<hbm>> -> memref<1024xf32, #tpu.memory_space<hbm>>
      %dma_wait3A_65 = tpu.memref_slice %arg13[%mul3A_57] : memref<16384xf32, #tpu.memory_space<vmem_shared>> -> memref<1024xf32, #tpu.memory_space<vmem_shared>>
      tpu.wait_dma2 semaphore(%run_scoped3A : memref<!tpu.dma_semaphore, #tpu.memory_space<semaphore_mem>>) src(%dma_wait3A_65 : memref<1024xf32, #tpu.memory_space<vmem_shared>>) dst(%dma_wait3A_64 : memref<1024xf32, #tpu.memory_space<hbm>>)
      tpu.yield
    }) : () -> ()
    return
  }
}

module attributes {stable_mosaic.version = 14 : i64} {
  func.func @_combine_kernel(%arg0: memref<2x16384xf32, #tpu.memory_space<vmem>>, %arg1: memref<1x16384xf32, #tpu.memory_space<vmem>>) attributes {dimension_semantics = [], scalar_prefetch = 0 : i64, scratch_operands = 0 : i64, tpu.core_type = #tpu.core_type<tc>} {
    %get3A = arith.constant 0 : index
    %get3A_0 = arith.constant 0 : index
    %get3A_1 = vector.load %arg0[%get3A, %get3A_0] : memref<2x16384xf32, #tpu.memory_space<vmem>>, vector<1x16384xf32>
    %get3A_2 = arith.constant 1 : index
    %get3A_3 = arith.constant 0 : index
    %get3A_4 = vector.load %arg0[%get3A_2, %get3A_3] : memref<2x16384xf32, #tpu.memory_space<vmem>>, vector<1x16384xf32>
    %add3A = arith.addf %get3A_1, %get3A_4 : vector<1x16384xf32>
    %logistic3A = arith.negf %add3A : vector<1x16384xf32>
    %logistic3A_5 = math.exp %logistic3A : vector<1x16384xf32>
    %logistic3A_6 = arith.constant 1.000000e+00 : f32
    %logistic3A_7 = vector.broadcast %logistic3A_6 : f32 to vector<1x16384xf32>
    %logistic3A_8 = arith.addf %logistic3A_7, %logistic3A_5 : vector<1x16384xf32>
    %logistic3A_9 = arith.divf %logistic3A_7, %logistic3A_8 : vector<1x16384xf32>
    %swap3A = arith.constant 0 : index
    %swap3A_10 = arith.constant 0 : index
    %swap3A_11 = vector.load %arg1[%swap3A, %swap3A_10] : memref<1x16384xf32, #tpu.memory_space<vmem>>, vector<1x16384xf32>
    tpu.vector_store %arg1[%swap3A, %swap3A_10], %logistic3A_9 {strides = array<i32>} : memref<1x16384xf32, #tpu.memory_space<vmem>>, vector<1x16384xf32>,
    return
  }
}

</mosaic_0001>

<sc_bundles>
// kernel: kernel.4.cloned.1.call-start
scs
__scs_entry_jumppad:
0x0: {  	(pc) =	sbr.rel $0x88, $3  }
0x1: {  	(tag) =	ssettag $0x0;
	lr =	simm.s32 $0x1  }
0x2: {  	[smem:$0x3F9D] =	sst lr;
	_ =	strace $0xD0000000  }
0x3: {  	_ = 	snop  }
0x4: {  	_ = 	snop  }
0x5: {  	_ = 	snop  }
0x6: {  	_ = 	snop  }
0x7: {  	_ = 	snop  }
__scs_overlays_trampoline_lowered:
0x8: {  	[smem:$0x3FAC] =	sst s0  }
0x9: {  	[smem:$0x3FAD] =	sst s1  }
0xa: {  	[smem:$0x3FAE] =	sst s2  }
0xb: {  	[smem:$0x3FAF] =	sst s3  }
0xc: {  	[smem:$0x3FB0] =	sst s4  }
0xd: {  	[smem:$0x3FB1] =	sst s5  }
0xe: {  	[smem:$0x3FB2] =	sst s6  }
0xf: {  	[smem:$0x3FB3] =	sst s7  }
0x10: {  	[smem:$0x3FB4] =	sst s8  }
0x11: {  	[smem:$0x3FB5] =	sst s9;
	s0 =	simm.s32 @!p0 $0x0  }
0x12: {  	s1 =	sld [smem:$0x3F9B];
	s0 =	simm.s32 @p0 $0x1  }
0x13: {  	[smem:$0x3FB6] =	sst s0;
	s0 =	simm.s32 @!p1 $0x0  }
0x14: {  	s2 =	sld [smem:$0x3F9A];
	s0 =	simm.s32 @p1 $0x1  }
0x15: {  	[smem:$0x3FB7] =	sst s0;
	s0 =	simm.s32 @!p2 $0x0  }
0x16: {  	s3 =	sld [smem:$0x3FDB];
	s0 =	simm.s32 @p2 $0x1  }
0x17: {  	s4 =	simm.s32 $0x1BF5;
	[smem:$0x3FB9] =	sst s0  }
0x18: {  	s0 =	sld [smem:$0x3F9C];
	_ =	swait.ge [sflag:s4], $0x0  }
0x19: {  	s7 =	sld [smem:$0x3F9D]  }
0x1a: {  	s8 =	sadd.s32 $0xFFFFE003, lr  }
0x1b: {  	s9 =	sadd.s32 $0xFFFFFEF7, lr;
	s5 =	simm.s32 $0xFFFFFFFF;
	p2 =	slt.u32 s8, $0xFFFFF086  }
0x1c: {  	p1 =	slt.u32 s9, $0xF7A;
	s5 =	simm.s32 @!p2 $0x0  }
0x1d: {  	s5 =	simm.s32 @p1 $0x1;
	p0 =	seq.s32 s7, s2  }
0x1e: {  	s7 =	smul.u32 @!p0 $0xF7A, s2;
	p2 =	seq.s32 @!p0 s5, $0x0  }
0x1f: {  	s9 =	smul.u32 $0xF7A, s1;
	s8 =	simm.s32 @!p0 $0x1BF5;
	p2 =	por !p2, p0  }
0x20: {  	[sflag:s8] =	ssyncset.s32 @!p0 $0xFFFFF086;
	s6 =	sadd.s32 @!p0 s3, s7;
	s7 =	simm.s32 @!p0 $0x108  }
0x21: {  	s3 =	sadd.s32 s3, s9;
	s6 =	sadd.s32 @!p0 $0x88, s6;
	s7 =	simm.s32 @p2 $0x1082  }
0x22: {  	[simem:s7], [sflag:s8] =	dma.local @!p0 [hbm:s6], $0xF7A  }
0x23: {  	s9 =	sor.u32 $0xD0000000, s2;
	s6 =	simm.s32 $0x108;
	_ =	swait.ge @!p0 [sflag:s8], $0x0  }
0x24: {  	s3 =	sadd.s32 $0x88, s3;
	s6 =	simm.s32 @!p1 $0x1082;
	[sflag:s4] =	ssyncset.s32 $0xFFFFF086  }
0x25: {  	[simem:s6], [sflag:s4] =	dma.local [hbm:s3], $0xF7A  }
0x26: {  	[smem:$0x3F9D] =	sst s1;
	(tag) =	ssettag s2;
	_ =	strace s9  }
0x27: {  	s1 =	sld [smem:$0x3FAD]  }
0x28: {  	s2 =	sld [smem:$0x3FAE]  }
0x29: {  	s4 =	sld [smem:$0x3FB0]  }
0x2a: {  	p0 =	seq.s32 s5, $0x0;
	s5 =	sld [smem:$0x3FB1]  }
0x2b: {  	s6 =	sld [smem:$0x3FB2]  }
0x2c: {  	s7 =	sld [smem:$0x3FB3]  }
0x2d: {  	s3 =	simm.s32 $0x108;
	s8 =	sld [smem:$0x3FB4]  }
0x2e: {  	s3 =	simm.s32 @!p0 $0x1082;
	s9 =	sld [smem:$0x3FB5]  }
0x2f: {  	lr =	sadd.s32 s0, s3;
	s0 =	sld [smem:$0x3FAC]  }
0x30: {  	s3 =	sld [smem:$0x3FAF]  }
0x31: {  	[smem:$0x3FB8] =	sst s10  }
0x32: {  	s10 =	sld [smem:$0x3FB6];
	_ =	sdelay $0x3  }
0x33: {  	p0 =	seq.s32 s10, $0x1;
	s10 =	sld [smem:$0x3FB8];
	_ =	sdelay $0x3  }
0x34: {  	[smem:$0x3FB8] =	sst s10  }
0x35: {  	s10 =	sld [smem:$0x3FB7];
	_ =	sdelay $0x3  }
0x36: {  	p1 =	seq.s32 s10, $0x1;
	s10 =	sld [smem:$0x3FB8];
	_ =	sdelay $0x3  }
0x37: {  	[smem:$0x3FB8] =	sst s10  }
0x38: {  	s10 =	sld [smem:$0x3FB9]  }
0x39: {  	_ = 	snop;
	(pc) =	sbr.ind lr, $3  }
0x3a: {  	_ = 	snop  }
0x3b: {  	_ = 	snop  }
0x3c: {  	p2 =	seq.s32 s10, $0x1;
	s10 =	sld [smem:$0x3FB8]  }
0x3d: {  	_ =	shalt  }
0x3e: {  	_ =	shalt  }
0x3f: {  	_ =	shalt  }
0x40: {  	_ =	shalt  }
0x41: {  	_ =	shalt  }
0x42: {  	_ =	shalt  }
0x43: {  	_ =	shalt  }
0x44: {  	_ =	shalt  }
0x45: {  	_ =	shalt  }
0x46: {  	_ =	shalt  }
0x47: {  	_ =	shalt  }
0x48: {  	_ =	shalt  }
0x49: {  	_ =	shalt  }
0x4a: {  	_ =	shalt  }
0x4b: {  	_ =	shalt  }
0x4c: {  	_ =	shalt  }
0x4d: {  	_ =	shalt  }
0x4e: {  	_ =	shalt  }
0x4f: {  	_ =	shalt  }
0x50: {  	_ =	shalt  }
0x51: {  	_ =	shalt  }
0x52: {  	_ =	shalt  }
0x53: {  	_ =	shalt  }
0x54: {  	_ =	shalt  }
0x55: {  	_ =	shalt  }
0x56: {  	_ =	shalt  }
0x57: {  	_ =	shalt  }
0x58: {  	_ =	shalt  }
0x59: {  	_ =	shalt  }
0x5a: {  	_ =	shalt  }
0x5b: {  	_ =	shalt  }
0x5c: {  	_ =	shalt  }
0x5d: {  	_ =	shalt  }
0x5e: {  	_ =	shalt  }
0x5f: {  	_ =	shalt  }
0x60: {  	_ =	shalt  }
0x61: {  	_ =	shalt  }
0x62: {  	_ =	shalt  }
0x63: {  	_ =	shalt  }
0x64: {  	_ =	shalt  }
0x65: {  	_ =	shalt  }
0x66: {  	_ =	shalt  }
0x67: {  	_ =	shalt  }
0x68: {  	_ =	shalt  }
0x69: {  	_ =	shalt  }
0x6a: {  	_ =	shalt  }
0x6b: {  	_ =	shalt  }
0x6c: {  	_ =	shalt  }
0x6d: {  	_ =	shalt  }
0x6e: {  	_ =	shalt  }
0x6f: {  	_ =	shalt  }
0x70: {  	_ =	shalt  }
0x71: {  	_ =	shalt  }
0x72: {  	_ =	shalt  }
0x73: {  	_ =	shalt  }
0x74: {  	_ =	shalt  }
0x75: {  	_ =	shalt  }
0x76: {  	_ =	shalt  }
0x77: {  	_ =	shalt  }
0x78: {  	_ =	shalt  }
0x79: {  	_ =	shalt  }
0x7a: {  	_ =	shalt  }
0x7b: {  	_ =	shalt  }
0x7c: {  	_ =	shalt  }
0x7d: {  	_ =	shalt  }
0x7e: {  	_ =	shalt  }
0x7f: {  	_ =	shalt  }
0x80: {  	_ =	shalt  }
0x81: {  	_ =	shalt  }
0x82: {  	_ =	shalt  }
0x83: {  	_ =	shalt  }
0x84: {  	_ =	shalt  }
0x85: {  	_ =	shalt  }
0x86: {  	_ =	shalt  }
0x87: {  	_ =	shalt  }
.Lfunc_end0:
.L_simem_size_0:
called_computation_lowered:
.L_overlay_start_0:
0x88: {  	s2 =	sld [smem:$0x3FD9]  }
0x89: {  	s3 =	sld [smem:$0x3FFE];
	_ =	sdelay $0x1  }
0x8a: {  	s1 =	srdreg.scid  }
0x8b: {  	s0 =	sand.u32 $0x1, s1  }
0x8c: {  	s17 =	sshll.u32 s0, $0xA;
	s2 =	sadd.s32 s3, s2  }
0x8d: {  	s2 =	sadd.s32 s2, s17  }
0x8e: {  	[smem:$0x3FC4] =	sst s2  }
0x8f: {  	_ = 	snop  }
0x90: {  	s2 =	sld [smem:$0x3FC9]  }
0x91: {  	s18 =	sld [smem:$0x3FC8]  }
0x92: {  	s4 =	sld [smem:$0x3FC7]  }
0x93: {  	s5 =	sld [smem:$0x3FC6];
	(tm) =	ssettm $0x1  }
0x94: {  	s6 =	sld [smem:$0x3FFB];
	_ =	sdelay $0x3  }
0x95: {  	_ =	strace s6  }
0x96: {  	s6 =	sld [smem:$0x3FFC];
	_ =	sdelay $0x3  }
0x97: {  	_ =	strace s6  }
0x98: {  	s6 =	sld [smem:$0x3FFD];
	_ =	sdelay $0x3  }
0x99: {  	_ =	strace s6  }
0x9a: {  	_ =	strace $0x8FFFFFFF  }
0x9b: {  	s19 =	sld [smem:$0x3FDB];
	_ =	sdelay $0x1  }
0x9c: {  	s7 =	simm.s32 $_scs_section_size  }
0x9d: {  	s8 =	simm.s32 $_size__tile_overlayer_lowered;
	s9 =	simm.s32 $_tile_overlayer_lowered  }
0x9e: {  	s22 =	simm.s32 $0x1BFF;
	s21 =	sshll.u32 s9, $0x1;
	s6 =	sadd.s32 s7, s19  }
0x9f: {  	s10 =	simm.s32 $0x0;
	s20 =	sshll.u32 s8, $0x1;
	s8 =	sadd.s32 s21, s6  }
0xa0: {  	[timem:s10], [sflag:s22] =	dma.local [hbm:s8], s20  }
0xa1: {  	_ =	swait.ge [sflag:s22], s20  }
0xa2: {  	s7 =	ssub.s32 $0x0, s20;
	[sflag:s22] =	ssyncset.done $0x0  }
0xa3: {  	[sflag:s22] =	ssyncadd.s32 s7;
	_ =	sdelay $0x1  }
0xa4: {  	s23 =	simm.s32 $0x1B8B  }
0xa5: {  	_ =	swait.ge [sflag:s23], $0x1  }
0xa6: {  	[sflag:s23] =	ssyncset.done $0x0  }
0xa7: {  	s25 =	simm.s32 $0x1B8E;
	s24 =	sld [smem:$0x3FFE];
	[sflag:s23] =	ssyncadd.s32 $0xFFFFFFFF  }
0xa8: {  	s26 =	simm.s32 $execute0_lowered;
	[smem:$0x3FD2] =	sst s25  }
0xa9: {  	s8 =	sshll.u32 s26, $0x1;
	_ =	strace $0x80000046;
	[dreg:$0x1] =	wrdreg $0xFFFFFFFF  }
0xaa: {  	s28 =	simm.s32 $_size_execute0_lowered;
	s6 =	sadd.s32 s6, s8;
	[dreg:$0x0] =	wrdreg $0x0  }
0xab: {  	s8 =	sshll.u32 s28, $0x1;
	[dreg:$0x2] =	wrdreg s6  }
0xac: {  	[dreg:$0x3] =	wrdreg s8  }
0xad: {  	[dreg:$0x4] =	wrdreg $0xC0  }
0xae: {  	_ =	task [dreg:s10], $0x5FFFF  }
0xaf: {  	[dreg:$0x1] =	wrdreg $0xFFFFFFFF  }
0xb0: {  	[dreg:$0x0] =	wrdreg $0x60  }
0xb1: {  	[dreg:$0x2] =	wrdreg s2  }
0xb2: {  	[dreg:$0x3] =	wrdreg s18  }
0xb3: {  	[dreg:$0x4] =	wrdreg s4  }
0xb4: {  	[dreg:$0x5] =	wrdreg s5  }
0xb5: {  	[dreg:$0x6] =	wrdreg s24  }
0xb6: {  	[dreg:$0x7] =	wrdreg $0x146800  }
0xb7: {  	[dreg:$0x8] =	wrdreg $0x9  }
0xb8: {  	_ =	task.clear_ibuf [dreg:s10], $0x9FFFF;
	_ =	strace $0x90000046  }
0xb9: {  	s29 =	simm.s32 $0x9;
	_ =	strace $0x80000048  }
0xba: {  	_ =	swait.ge [sflag:s29], $0x1  }
0xbb: {  	[sflag:s29] =	ssyncadd.s32 $0xFFFFFFFF  }
0xbc: {  	_ =	strace $0x90000048  }
0xbd: {  	_ =	sfence  }
0xbe: {  	s30 =	sld [smem:$0x0];
	_ =	sdelay $0x2  }
0xbf: {  	s31 =	sshll.u32 s1, $0xD;
	s1 =	sshrl.u32 s1, $0x2  }
0xc0: {  	s3 =	sand.u32 $0x4000, s31;
	s1 =	sadd.s32 s1, s30  }
0xc1: {  	s0 =	sor.u32 s3, s0;
	s1 =	sshll.u32 s1, $0x11  }
0xc2: {  	s0 =	sor.u32 s1, s0  }
0xc3: {  	s0 =	sadd.s32 $0x8F2B, s0  }
0xc4: {  	[sflag:s0] =	ssyncadd.remote.s32 $0x1  }
0xc5: {  	_ =	sfence.sel $0xFFFF  }
0xc6: {  	[dreg:$0x0] =	wrdreg $0xFFFFFFFF;
	(pc) =	sbr.abs _section_cstart, $3  }
0xc7: {  	[dreg:$0x1] =	wrdreg $0xFFFFFFFF  }
0xc8: {  	_ =	task.clear_ibuf [dreg:s10], $0x2FFFF;
	_ =	strace $0x9FFFFFFF  }
0xc9: {  	(tm) =	ssettm $0x7FFFFFFF  }
tec
execute0_lowered:
.L_overlay_start_1:
0x0: {  	(tag) =	ssettag $0x1  }
0x1: {  	s7 =	rddreg [dreg:$0x0]  }
0x2: {  	s5 =	rddreg [dreg:$0x1]  }
0x3: {  	s6 =	rddreg [dreg:$0x2]  }
0x4: {  	s0 =	rddreg [dreg:$0x3]  }
0x5: {  	s1 =	srdreg.scid;
	s8 =	rddreg [dreg:$0x4]  }
0x6: {  	s3 =	rddreg [dreg:$0x5];
	s2 =	stileid.u32;
	s4 =	simm.s32 $0x0  }
0x7: {  	s13 =	simm.s32 $0xA280;
	s14 =	simm.s32 $0x14280;
	s15 =	simm.s32 $0x3  }
0x8: {  	s16 =	simm.s32 $0x1;
	s17 =	simm.s32 $0x80;
	s18 =	simm.s32 $0x2  }
0x9: {  	s20 =	simm.s32 $0x20;
	s9 =	sand.u32 $0x1, s1;
	s1 =	rddreg [dreg:$0x6]  }
0xa: {  	s21 =	simm.s32 $0x10;
	s22 =	simm.s32 $0x0;
	[smem:$0x7FF] =	sst s4  }
0xb: {  	s30 =	sshll.u32 s2, $0x8;
	s31 =	sshll.u32 s2, $0xA;
	s19 =	sshll.u32 s2, $0x6  }
0xc: {  	s10 =	sshll.u32 s9, $0x4;
	s9 =	ssub.s32 $0x2, s9;
	_ =	strace $0x80000047  }
0xd: {  	s11 =	sor.u32 s2, s10;
	s12 =	sshrl.u32 s9, $0x1;
	s10 =	sadd.s32 s10, s8  }
0xe: {  	s11 =	smul.u32 $0xA00, s11;
	s12 =	ssub.s32 s9, s12;
	s9 =	sadd.s32 s30, s10  }
0xf: {  	s19 =	sor.u32 $0x1C03, s19;
	s8 =	sadd.s32 s31, s3;
	s9 =	sadd.s32 $0x600, s9  }
0x10: {  	s10 =	smax.u32 s12, $0x1;
	s12 =	simm.s32 $0x5280;
	s5 =	sadd.s32 s5, s11  }
0x11: {  	v0 =	vimm.f32 $0.0e+00;
	s6 =	sadd.s32 s6, s11;
	s7 =	sadd.s32 s7, s11;
	s11 =	simm.s32 $0x280  }
.LBB2_1:
0x12: {  	[tilespmem:s4], [sflag:$0x1] =	stream.linear.gather [hbm4b:s0+s4], $0x280, $0x38;
	[tilespmem:$0x14A80] =	vst v63  }
0x13: {  	_ = 	snop  }
0x14: {  	[tilespmem:s11], [sflag:$0x1] =	stream.linear.gather [hbm4b:s5+s4], $0x5000, $0x38;
	[tilespmem:$0x14A80] =	vst v63  }
0x15: {  	_ = 	snop  }
0x16: {  	[tilespmem:s12], [sflag:$0x1] =	stream.linear.gather [hbm4b:s6+s4], $0x5000, $0x38;
	[tilespmem:$0x14A80] =	vst v63  }
0x17: {  	s23 =	simm.s32 $0x40;
	s24 =	simm.s32 $0x0  }
0x18: {  	[tilespmem:s13], [sflag:$0x1] =	stream.linear.gather [hbm4b:s7+s4], $0x5000, $0x38;
	[tilespmem:$0x14A80] =	vst v63  }
.LBB2_2:
0x19: {  	p0 =	sne.s32 s23, $0xFC0;
	[tilespmem:s24+$0x14280] =	vst v0;
	s24 =	smov.u32 s23;
	s23 =	sadd.s32 $0x40, s23  }
.Ltmp0:
0x1a: {  	(pc) =	sbr.rel @p0 .LBB2_2-.Ltmp0, $2  }
0x1b: {  	_ =	sdelay $0x2  }
0x1c: {  	s24 =	sshra.s32 s24, $0x2  }
0x1d: {  	[tilespmem:s24+$0x14280] =	vst v0  }
0x1e: {  	[spmem:s8] =	stream.linear.scatter [tilespmem:s14], [sflag:$0x3], $0x400, $0x38;
	[tilespmem:$0x14A80] =	vst v63  }
0x1f: {  	_ =	swait.ge [sflag:s15], $0x400  }
0x20: {  	[sflag:s15] =	ssyncset.done $0x0  }
0x21: {  	[sflag:s15] =	ssyncadd.s32 $0xFFFFFC00  }
0x22: {  	_ =	swait.ge [sflag:s16], $0x280  }
0x23: {  	[sflag:s16] =	ssyncset.done $0x0  }
0x24: {  	[sflag:s16] =	ssyncadd.s32 $0xFFFFFD80  }
0x25: {  	_ =	swait.ge [sflag:s16], $0x5000  }
0x26: {  	[sflag:s16] =	ssyncset.done $0x0  }
0x27: {  	[sflag:s16] =	ssyncadd.s32 $0xFFFFB000  }
0x28: {  	_ =	swait.ge [sflag:s16], $0x5000  }
0x29: {  	[sflag:s16] =	ssyncset.done $0x0  }
0x2a: {  	[sflag:s16] =	ssyncadd.s32 $0xFFFFB000  }
0x2b: {  	_ =	swait.ge [sflag:s16], $0x5000  }
0x2c: {  	[sflag:s16] =	ssyncset.done $0x0  }
0x2d: {  	[sflag:s16] =	ssyncadd.s32 $0xFFFFB000  }
0x2e: {  	s23 =	simm.s32 $0x0;
	s24 =	simm.s32 $0x0;
	[bflag:$0x0] =	sbarrier.arrive $0xFFFF  }
.LBB2_4:
0x2f: {  	s25 =	sshll.u32 s24, $0xA;
	s26 =	sand.u32 $0x7FFFFF80, s23  }
0x30: {  	s28 =	sand.u32 $0x70, s23;
	s26 =	sadd.s32 s26, s25  }
0x31: {  	s26 =	sor.u32 s28, s26  }
0x32: {  	v1 =	vld [tilespmem:s26+$0x280];
	_ =	sdelay $0x4  }
0x33: {  	s28 =	simm.s32 $0x10  }
0x34: {  	s29 =	sand.u32 $0x7FFFFF80, s28  }
0x35: {  	v2 =	vld [tilespmem:s26+$0x5280];
	s28 =	sand.u32 $0x70, s28;
	s29 =	sadd.s32 s29, s25  }
0x36: {  	s28 =	sor.u32 s28, s29;
	v3 =	vld.idx.msk [tilespmem:v1+s4+$0x0], $0xffff  }
0x37: {  	v1 =	vld [tilespmem:s28+$0x280];
	_ =	sdelay $0x4  }
0x38: {  	s30 =	simm.s32 $0x20;
	v2 =	vmul.f32 v2, v3  }
0x39: {  	s31 =	sand.u32 $0x7FFFFF80, s30;
	s29 =	simm.s32 $0x30  }
.LBB2_5:
0x3a: {  	p0 =	sne.s32 s29, $0x3F0;
	s30 =	sand.u32 $0x70, s30;
	s31 =	sadd.s32 s31, s25;
	v3 =	vld [tilespmem:s28+$0x5280];
	[tilespmem:s26+$0xF280] =	vst v2  }
0x3b: {  	s26 =	smov.u32 s28;
	v2 =	vld.idx.msk [tilespmem:v1+s4+$0x0], $0xffff;
	s28 =	sor.u32 s30, s31;
	s30 =	smov.u32 s29  }
0x3c: {  	v1 =	vld [tilespmem:s28+$0x280];
	_ =	sdelay $0x1  }
.Ltmp1:
0x3d: {  	(pc) =	sbr.rel @p0 .LBB2_5-.Ltmp1, $3  }
0x3e: {  	_ =	sdelay $0x1  }
0x3f: {  	v2 =	vmul.f32 v3, v2  }
0x40: {  	s29 =	sadd.s32 $0x10, s29;
	s31 =	sand.u32 $0x7FFFFF80, s30  }
0x41: {  	s29 =	sand.u32 $0x70, s30;
	s31 =	sadd.s32 s31, s25  }
0x42: {  	s29 =	sor.u32 s29, s31  }
0x43: {  	v3 =	vld [tilespmem:s29+$0x280];
	_ =	sdelay $0x4  }
0x44: {  	v4 =	vld [tilespmem:s28+$0x5280]  }
0x45: {  	v1 =	vld.idx.msk [tilespmem:v1+s4+$0x0], $0xffff  }
0x46: {  	v5 =	vld [tilespmem:s29+$0x5280]  }
0x47: {  	v3 =	vld.idx.msk [tilespmem:v3+s4+$0x0], $0xffff;
	_ =	sdelay $0x3  }
0x48: {  	v1 =	vmul.f32 v4, v1  }
0x49: {  	[tilespmem:s26+$0xF280] =	vst v2;
	v2 =	vmul.f32 v5, v3  }
0x4a: {  	[tilespmem:s28+$0xF280] =	vst v1  }
0x4b: {  	s31 =	sadd.s32 $0xF280, s25;
	[tilespmem:s29+$0xF280] =	vst v2;
	s29 =	sadd.s32 $0xA280, s25  }
0x4c: {  	[spmem:s3] =	stream.indirect.scatter.add.f32 [tilespmem:s31], [sflag:$0x2], $0x1, s29, s17, $0xb8;
	[tilespmem:$0x14A80] =	vst v63  }
0x4d: {  	s30 =	sadd.s32 $0xF300, s25;
	s31 =	sadd.s32 $0xA300, s25  }
0x4e: {  	[spmem:s3] =	stream.indirect.scatter.add.f32 [tilespmem:s30], [sflag:$0x2], $0x1, s31, s17, $0xb8;
	[tilespmem:$0x14A80] =	vst v63  }
0x4f: {  	s29 =	sadd.s32 $0xF380, s25;
	s30 =	sadd.s32 $0xA380, s25  }
0x50: {  	[spmem:s3] =	stream.indirect.scatter.add.f32 [tilespmem:s29], [sflag:$0x2], $0x1, s30, s17, $0xb8;
	[tilespmem:$0x14A80] =	vst v63  }
0x51: {  	s31 =	sadd.s32 $0xF400, s25;
	s29 =	sadd.s32 $0xA400, s25  }
0x52: {  	[spmem:s3] =	stream.indirect.scatter.add.f32 [tilespmem:s31], [sflag:$0x2], $0x1, s29, s17, $0xb8;
	[tilespmem:$0x14A80] =	vst v63  }
0x53: {  	s24 =	sadd.s32 $0x1, s24;
	s30 =	sadd.s32 $0xF480, s25;
	s31 =	sadd.s32 $0xA480, s25  }
0x54: {  	[spmem:s3] =	stream.indirect.scatter.add.f32 [tilespmem:s30], [sflag:$0x2], $0x1, s31, s17, $0xb8;
	[tilespmem:$0x14A80] =	vst v63  }
0x55: {  	p0 =	sne.s32 s24, $0x14;
	s29 =	sadd.s32 $0xF500, s25;
	s30 =	sadd.s32 $0xA500, s25  }
0x56: {  	[spmem:s3] =	stream.indirect.scatter.add.f32 [tilespmem:s29], [sflag:$0x2], $0x1, s30, s17, $0xb8;
	[tilespmem:$0x14A80] =	vst v63  }
.Ltmp2:
0x57: {  	_ = 	snop;
	(pc) =	sbr.rel @p0 .LBB2_4-.Ltmp2, $4  }
0x58: {  	s31 =	sadd.s32 $0xF580, s25;
	s29 =	sadd.s32 $0xA580, s25  }
0x59: {  	[spmem:s3] =	stream.indirect.scatter.add.f32 [tilespmem:s31], [sflag:$0x2], $0x1, s29, s17, $0xb8;
	[tilespmem:$0x14A80] =	vst v63  }
0x5a: {  	s30 =	sadd.s32 $0xF600, s25;
	s31 =	sadd.s32 $0xA600, s25  }
0x5b: {  	[spmem:s3] =	stream.indirect.scatter.add.f32 [tilespmem:s30], [sflag:$0x2], $0x1, s31, s17, $0xb8;
	[tilespmem:$0x14A80] =	vst v63  }
0x5c: {  	_ =	swait.ge [sflag:s18], $0x80  }
0x5d: {  	s23 =	simm.s32 $0x9F;
	[sflag:s18] =	ssyncset.done $0x0  }
.LBB2_8:
0x5e: {  	p0 =	sne.s32 s23, $0x1;
	s23 =	sadd.s32 $0xFFFFFFFF, s23;
	[sflag:s18] =	ssyncadd.s32 $0xFFFFFF80  }
.Ltmp3:
0x5f: {  	(pc) =	sbr.rel @p0 .LBB2_8-.Ltmp3, $3  }
0x60: {  	_ =	sdelay $0x1  }
0x61: {  	_ =	swait.ge [sflag:s18], $0x80  }
0x62: {  	[sflag:s18] =	ssyncset.done $0x0  }
0x63: {  	s22 =	sadd.s32 $0x1, s22  }
0x64: {  	[sflag:s18] =	ssyncadd.s32 $0xFFFFFF80;
	p0 =	sne.s32 s22, s10  }
.Ltmp4:
0x65: {  	s23 =	sshrl.u32 s8, $0x3;
	[bflag:$0x0] =	sbarrier.arrive $0xFFFF;
	(pc) =	sbr.rel @p0 .LBB2_1-.Ltmp4, $4  }
0x66: {  	[hbm:s9@s20], [sflag:s19] =	dma.strided [spmem:s23@s21], $0x80, s16, $0x10   }
0x67: {  	_ =	swait.ge [sflag:s15], $0x80  }
0x68: {  	[sflag:s15] =	ssyncset.done $0x0  }
0x69: {  	[sflag:s15] =	ssyncadd.s32 $0xFFFFFF80  }
0x6a: {  	_ =	sfence.sel $0x180000  }
0x6b: {  	[bflag:$0x0] =	sbarrier.arrive $0xFFFF  }
0x6c: {  	p0 =	sne.s32 s2, $0x0;
	_ =	strace $0x90000047  }
0x6d: {  	s0 =	sadd.s32 @!p0 $0x100000, s1;
	[bflag:$0x2] =	sbarrier.arrive $0xFFFF  }
0x6e: {  	[sflag:s0] =	ssyncadd.tile.s32 @!p0 $0x1;
	_ =	shalt  }
.Lfunc_end2:
_tile_overlayer_lowered:
.L_overlay_start_2:
0x6f: {  	(tag) =	ssettag $0x2  }
0x70: {  	s0 =	rddreg [dreg:$0x0];
	s2 =	stileid.u32  }
0x71: {  	s1 =	rddreg [dreg:$0x1];
	p0 =	sne.s32 s2, $0x0  }
0x72: {  	s3 =	rddreg [dreg:$0x2];
	[bflag:$0x3] =	sbarrier.arrive $0xFFFF;
	s2 =	simm.s32 @!p0 $0x1C03  }
0x73: {  	[timem:s3], [sflag:s2] =	dma.local @!p0 [hbm:s0], s1  }
0x74: {  	s0 =	simm.s32 @!p0 $0x3  }
0x75: {  	_ =	swait.ge @!p0 [sflag:s0], s1  }
0x76: {  	s1 =	ssub.s32 @!p0 $0x0, s1;
	[sflag:s0] =	ssyncset.done @!p0 $0x0  }
0x77: {  	[sflag:s0] =	ssyncadd.s32 @!p0 s1  }
0x78: {  	[bflag:$0x3] =	sbarrier.arrive $0xFFFF  }
0x79: {  	_ =	shalt  }

</sc_bundles>
